<compile_context>
chip_gen: v7x
topology: tpu7x:2x2x1
jax: 0.10.2.dev20260603
libtpu: 0.0.44.dev20260713+nightly
codegen_flags: <defaults>
</compile_context>

<pallas_src>
import functools

import jax
import jax.numpy as jnp
from jax import lax
from jax.experimental import pallas as pl
from jax.experimental.pallas import tpu as pltpu
from jax.experimental.pallas import tpu_sc as plsc

N = 100000
B = 16384
D = 64
UF = 13
EF = 13
NC = 2
NS = 16
NW = NC * NS
CHUNK = 128
CPW = B // (NW * CHUNK)
BPW = B // NW

_mesh = plsc.VectorSubcoreMesh(core_axis_name="c", subcore_axis_name="s")


@functools.partial(
    pl.kernel,
    mesh=_mesh,
    out_type=jax.ShapeDtypeStruct((B, 2 * D), jnp.float32),
    scratch_types=[
        pltpu.VMEM((CPW, CHUNK), jnp.int32),
        pltpu.VMEM((BPW, 2 * D), jnp.float32),
        pltpu.SemaphoreType.DMA,
    ],
    compiler_params=pltpu.CompilerParams(use_tc_tiling_on_sc=True),
)
def _sc_gather(idx_hbm, cat_hbm, out_hbm, idx_v, rows_v, sem):
    wid = lax.axis_index("s") * NC + lax.axis_index("c")
    base = wid * BPW
    pltpu.sync_copy(idx_hbm.at[pl.ds(wid * CPW, CPW)], idx_v)
    copies = []
    for j in range(CPW):
        copies.append(
            pltpu.async_copy(
                cat_hbm.at[idx_v.at[j]], rows_v.at[pl.ds(j * CHUNK, CHUNK)], sem
            )
        )
    for cp in copies:
        cp.wait()
    pltpu.sync_copy(rows_v, out_hbm.at[pl.ds(base, BPW)])


TBLK = 12800
_DN0 = (((0,), (0,)), ((), ()))


def _t1_body(persT, commT, cat):
    f32 = jnp.float32
    eye = jnp.eye(D, dtype=f32)
    cat[:, :D] = lax.dot_general(persT[...], eye, _DN0, preferred_element_type=f32)
    cat[:, D:] = lax.dot_general(commT[...], eye, _DN0, preferred_element_type=f32)


_t1 = pl.pallas_call(
    _t1_body,
    grid=(pl.cdiv(N, TBLK),),
    in_specs=[
        pl.BlockSpec((D, TBLK), lambda i: (0, i)),
        pl.BlockSpec((D, TBLK), lambda i: (0, i)),
    ],
    out_specs=pl.BlockSpec((TBLK, 2 * D), lambda i: (i, 0)),
    out_shape=jax.ShapeDtypeStruct((N, 2 * D), jnp.float32),
)


BLK = 8192


def _full(shape):
    return pl.BlockSpec(shape, lambda i: (0, 0))


def _t2_body(ufT, efT, both, uw1, ub1, uw2, ub2, ew1, eb1, ew2, eb2, aw, ab,
             ratingT, ipT, icT):
    f32 = jnp.float32
    h = jnp.maximum(
        lax.dot_general(uw1[...], ufT[...], _DN0, preferred_element_type=f32)
        + ub1[...], 0.0)
    ue = jnp.maximum(
        lax.dot_general(uw2[...], h, _DN0, preferred_element_type=f32)
        + ub2[...], 0.0)
    g = jnp.maximum(
        lax.dot_general(ew1[...], efT[...], _DN0, preferred_element_type=f32)
        + eb1[...], 0.0)
    ee = jnp.maximum(
        lax.dot_general(ew2[...], g, _DN0, preferred_element_type=f32)
        + eb2[...], 0.0)
    z = 0.5 * ue + 0.3 * ee
    bothT = jnp.swapaxes(both[...], 0, 1)
    ipt = bothT[:D]
    ict = bothT[D:]
    ipT[...] = ipt
    icT[...] = ict
    logits = lax.dot_general(
        aw[...], ipt + ict + z, _DN0, preferred_element_type=f32
    ) + ab[...]
    ratingT[...] = jax.nn.sigmoid(logits)


_t2 = pl.pallas_call(
    _t2_body,
    grid=(B // BLK,),
    in_specs=[
        pl.BlockSpec((UF, BLK), lambda i: (0, i)),
        pl.BlockSpec((EF, BLK), lambda i: (0, i)),
        pl.BlockSpec((BLK, 2 * D), lambda i: (i, 0)),
        _full((UF, 64)),
        _full((64, 1)),
        _full((64, D)),
        _full((D, 1)),
        _full((EF, 64)),
        _full((64, 1)),
        _full((64, D)),
        _full((D, 1)),
        _full((D, 1)),
        _full((1, 1)),
    ],
    out_specs=[
        pl.BlockSpec((1, BLK), lambda i: (0, i)),
        pl.BlockSpec((D, BLK), lambda i: (0, i)),
        pl.BlockSpec((D, BLK), lambda i: (0, i)),
    ],
    out_shape=[
        jax.ShapeDtypeStruct((1, B), jnp.float32),
        jax.ShapeDtypeStruct((D, B), jnp.float32),
        jax.ShapeDtypeStruct((D, B), jnp.float32),
    ],
)


def kernel(item_indices, user_features, exercise_features,
           item_personality, item_commonality,
           u_w1, u_b1, u_w2, u_b2,
           e_w1, e_b1, e_w2, e_b2,
           a_w, a_b):
    idx2 = item_indices.astype(jnp.int32).reshape(B // CHUNK, CHUNK)
    cat = _t1(item_personality.T, item_commonality.T)
    both = _sc_gather(idx2, cat)
    ratingT, ipT, icT = _t2(
        user_features.T, exercise_features.T, both,
        u_w1, u_b1.reshape(64, 1), u_w2, u_b2.reshape(D, 1),
        e_w1, e_b1.reshape(64, 1), e_w2, e_b2.reshape(D, 1),
        a_w, a_b.reshape(1, 1),
    )
    return (ratingT.T, ipT.T, icT.T)

# --- scband reference (transcript-rebuilt; emitter-appended) ---
"""Pipeline reference for scband-fed-rapfitness-9672266350806 (READ-ONLY COPY).

The authoritative reference and input builder live on the scoring server;
editing this copy changes nothing except your own understanding.
"""

import jax, jax.numpy as jnp
import numpy as np

NUM_ITEMS = 100000
LATENT = 64
B = 16384
UF = 13
EF = 13


def setup_inputs(seed: int = 0) -> dict:
    key = jax.random.key(seed)
    ks = jax.random.split(key, 12)
    inp = {
        "item_indices": jax.random.randint(ks[0], (B,), 0, NUM_ITEMS),
        "user_features": jax.random.normal(ks[1], (B, UF), dtype=jnp.float32),
        "exercise_features": jax.random.normal(ks[2], (B, EF), dtype=jnp.float32),
        "item_personality": 0.01 * jax.random.normal(ks[3], (NUM_ITEMS, LATENT), dtype=jnp.float32),
        "item_commonality": 0.01 * jax.random.normal(ks[4], (NUM_ITEMS, LATENT), dtype=jnp.float32),
        "u_w1": 0.1 * jax.random.normal(ks[5], (UF, 64), dtype=jnp.float32),
        "u_b1": jnp.zeros((64,), dtype=jnp.float32),
        "u_w2": 0.1 * jax.random.normal(ks[6], (64, LATENT), dtype=jnp.float32),
        "u_b2": jnp.zeros((LATENT,), dtype=jnp.float32),
        "e_w1": 0.1 * jax.random.normal(ks[7], (EF, 64), dtype=jnp.float32),
        "e_b1": jnp.zeros((64,), dtype=jnp.float32),
        "e_w2": 0.1 * jax.random.normal(ks[8], (64, LATENT), dtype=jnp.float32),
        "e_b2": jnp.zeros((LATENT,), dtype=jnp.float32),
        "a_w": 0.1 * jax.random.normal(ks[9], (LATENT, 1), dtype=jnp.float32),
        "a_b": jnp.zeros((1,), dtype=jnp.float32),
    }
    return inp


def reference(item_indices, user_features, exercise_features,
              item_personality, item_commonality,
              u_w1, u_b1, u_w2, u_b2,
              e_w1, e_b1, e_w2, e_b2,
              a_w, a_b):
    # embedding lookups (personalized + global shared)
    ip = jnp.take(item_personality, item_indices, axis=0)
    ic = jnp.take(item_commonality, item_indices, axis=0)
    combined = ip + ic
    # user feature encoder: Linear->ReLU->Dropout(eval=identity)->Linear->ReLU
    ue = jax.nn.relu(jax.nn.relu(user_features @ u_w1 + u_b1) @ u_w2 + u_b2)
    combined = combined + 0.5 * ue
    # exercise feature encoder
    ee = jax.nn.relu(jax.nn.relu(exercise_features @ e_w1 + e_b1) @ e_w2 + e_b2)
    combined = combined + 0.3 * ee
    logits = combined @ a_w + a_b
    rating = jax.nn.sigmoid(logits)
    return (rating, ip, ic)

if __name__ == "__main__":
    import jax
    _d = setup_inputs()
    print(jax.jit(kernel)(*tuple(_d.values())))

</pallas_src>

<mosaic_0001>
#map = affine_map<(d0, d1) -> (0, 0)>
module attributes {stable_mosaic.version = 14 : i64} {
  func.func @_sc_gather(%arg0: i32, %arg1: i32, %arg2: memref<128x128xi32, #tpu.memory_space<hbm>>, %arg3: memref<100000x128xf32, #tpu.memory_space<hbm>>, %arg4: memref<16384x128xf32, #tpu.memory_space<hbm>>, %arg5: memref<4x128xi32, #tpu.memory_space<vmem>>, %arg6: memref<512x128xf32, #tpu.memory_space<vmem>>, %arg7: memref<!tpu.dma_semaphore, #tpu.memory_space<semaphore_mem>>) attributes {dimension_semantics = [#tpu.dimension_semantics<core_parallel>, #tpu.dimension_semantics<subcore_parallel>], iteration_bounds = array<i64: 2, 16>, scalar_prefetch = 0 : i64, scratch_operands = 3 : i64, tpu.core_type = #tpu.core_type<sc_vector_subcore>, window_params = [{transform_indices = #map}, {transform_indices = #map}, {transform_indices = #map}]} {
    %mul3A = arith.constant 2 : i32
    %mul3A_0 = arith.muli %arg1, %mul3A : i32
    %add3A = arith.addi %mul3A_0, %arg0 : i32
    %mul3A_1 = arith.constant 512 : i32
    %mul3A_2 = arith.muli %add3A, %mul3A_1 : i32
    %mul3A_3 = arith.constant 4 : i32
    %mul3A_4 = arith.muli %add3A, %mul3A_3 : i32
    "tpu.region"() ({
      %run_scoped3A = tpu.sem_alloc : memref<!tpu.dma_semaphore, #tpu.memory_space<semaphore_mem>>
      %dma_start3A_83 = arith.constant 0 : i32
      %dma_start3A_84 = tpu.memref_slice %arg2[%mul3A_4, %dma_start3A_83] : memref<128x128xi32, #tpu.memory_space<hbm>> -> memref<4x128xi32, #tpu.memory_space<hbm>>
      %dma_start3A_85 = arith.constant 0 : i32
      %dma_start3A_86 = tpu.memref_slice %arg2[%mul3A_4, %dma_start3A_85] : memref<128x128xi32, #tpu.memory_space<hbm>> -> memref<4x128xi32, #tpu.memory_space<hbm>>
      tpu.enqueue_dma source(%dma_start3A_86 : memref<4x128xi32, #tpu.memory_space<hbm>>) target(%arg5 : memref<4x128xi32, #tpu.memory_space<vmem>>) target_semaphore(%run_scoped3A : memref<!tpu.dma_semaphore, #tpu.memory_space<semaphore_mem>>)
      %dma_wait3A_87 = arith.constant 0 : i32
      %dma_wait3A_88 = tpu.memref_slice %arg2[%mul3A_4, %dma_wait3A_87] : memref<128x128xi32, #tpu.memory_space<hbm>> -> memref<4x128xi32, #tpu.memory_space<hbm>>
      %dma_wait3A_89 = arith.constant 0 : i32
      %dma_wait3A_90 = tpu.memref_slice %arg2[%mul3A_4, %dma_wait3A_89] : memref<128x128xi32, #tpu.memory_space<hbm>> -> memref<4x128xi32, #tpu.memory_space<hbm>>
      tpu.wait_dma2 semaphore(%run_scoped3A : memref<!tpu.dma_semaphore, #tpu.memory_space<semaphore_mem>>) src(%dma_wait3A_90 : memref<4x128xi32, #tpu.memory_space<hbm>>) dst(%arg5 : memref<4x128xi32, #tpu.memory_space<vmem>>)
      tpu.yield
    }) : () -> ()
    %dma_start3A = arith.constant 0 : i32
    %dma_start3A_5 = arith.constant 0 : i32
    %dma_start3A_6 = arith.constant 0 : i32
    %dma_start3A_7 = tpu.memref_slice %arg6[%dma_start3A_5, %dma_start3A_6] : memref<512x128xf32, #tpu.memory_space<vmem>> -> memref<128x128xf32, #tpu.memory_space<vmem>>
    %dma_start3A_8 = arith.constant 0 : i32
    %dma_start3A_9 = tpu.memref_slice %arg5[%dma_start3A, %dma_start3A_8] : memref<4x128xi32, #tpu.memory_space<vmem>> -> memref<1x128xi32, #tpu.memory_space<vmem>>
    %dma_start3A_10 = tpu.memref_squeeze %dma_start3A_9 : memref<1x128xi32, #tpu.memory_space<vmem>> -> memref<128xi32, #tpu.memory_space<vmem>>
    %dma_start3A_11 = arith.constant 0 : i32
    %dma_start3A_12 = arith.constant 0 : i32
    %dma_start3A_13 = tpu.memref_slice %arg3[%dma_start3A_11, %dma_start3A_12] : memref<100000x128xf32, #tpu.memory_space<hbm>> -> memref<100000x128xf32, #tpu.memory_space<hbm>>
    tpu.enqueue_indirect_dma source(%dma_start3A_13 : memref<100000x128xf32, #tpu.memory_space<hbm>>) target(%dma_start3A_7 : memref<128x128xf32, #tpu.memory_space<vmem>>) offsets(%dma_start3A_10 : memref<128xi32, #tpu.memory_space<vmem>>) semaphore(%arg7 : memref<!tpu.dma_semaphore, #tpu.memory_space<semaphore_mem>>)
    %dma_start3A_14 = arith.constant 1 : i32
    %dma_start3A_15 = arith.constant 128 : i32
    %dma_start3A_16 = arith.constant 0 : i32
    %dma_start3A_17 = tpu.memref_slice %arg6[%dma_start3A_15, %dma_start3A_16] : memref<512x128xf32, #tpu.memory_space<vmem>> -> memref<128x128xf32, #tpu.memory_space<vmem>>
    %dma_start3A_18 = arith.constant 0 : i32
    %dma_start3A_19 = tpu.memref_slice %arg5[%dma_start3A_14, %dma_start3A_18] : memref<4x128xi32, #tpu.memory_space<vmem>> -> memref<1x128xi32, #tpu.memory_space<vmem>>
    %dma_start3A_20 = tpu.memref_squeeze %dma_start3A_19 : memref<1x128xi32, #tpu.memory_space<vmem>> -> memref<128xi32, #tpu.memory_space<vmem>>
    %dma_start3A_21 = arith.constant 0 : i32
    %dma_start3A_22 = arith.constant 0 : i32
    %dma_start3A_23 = tpu.memref_slice %arg3[%dma_start3A_21, %dma_start3A_22] : memref<100000x128xf32, #tpu.memory_space<hbm>> -> memref<100000x128xf32, #tpu.memory_space<hbm>>
    tpu.enqueue_indirect_dma source(%dma_start3A_23 : memref<100000x128xf32, #tpu.memory_space<hbm>>) target(%dma_start3A_17 : memref<128x128xf32, #tpu.memory_space<vmem>>) offsets(%dma_start3A_20 : memref<128xi32, #tpu.memory_space<vmem>>) semaphore(%arg7 : memref<!tpu.dma_semaphore, #tpu.memory_space<semaphore_mem>>)
    %dma_start3A_24 = arith.constant 2 : i32
    %dma_start3A_25 = arith.constant 256 : i32
    %dma_start3A_26 = arith.constant 0 : i32
    %dma_start3A_27 = tpu.memref_slice %arg6[%dma_start3A_25, %dma_start3A_26] : memref<512x128xf32, #tpu.memory_space<vmem>> -> memref<128x128xf32, #tpu.memory_space<vmem>>
    %dma_start3A_28 = arith.constant 0 : i32
    %dma_start3A_29 = tpu.memref_slice %arg5[%dma_start3A_24, %dma_start3A_28] : memref<4x128xi32, #tpu.memory_space<vmem>> -> memref<1x128xi32, #tpu.memory_space<vmem>>
    %dma_start3A_30 = tpu.memref_squeeze %dma_start3A_29 : memref<1x128xi32, #tpu.memory_space<vmem>> -> memref<128xi32, #tpu.memory_space<vmem>>
    %dma_start3A_31 = arith.constant 0 : i32
    %dma_start3A_32 = arith.constant 0 : i32
    %dma_start3A_33 = tpu.memref_slice %arg3[%dma_start3A_31, %dma_start3A_32] : memref<100000x128xf32, #tpu.memory_space<hbm>> -> memref<100000x128xf32, #tpu.memory_space<hbm>>
    tpu.enqueue_indirect_dma source(%dma_start3A_33 : memref<100000x128xf32, #tpu.memory_space<hbm>>) target(%dma_start3A_27 : memref<128x128xf32, #tpu.memory_space<vmem>>) offsets(%dma_start3A_30 : memref<128xi32, #tpu.memory_space<vmem>>) semaphore(%arg7 : memref<!tpu.dma_semaphore, #tpu.memory_space<semaphore_mem>>)
    %dma_start3A_34 = arith.constant 3 : i32
    %dma_start3A_35 = arith.constant 384 : i32
    %dma_start3A_36 = arith.constant 0 : i32
    %dma_start3A_37 = tpu.memref_slice %arg6[%dma_start3A_35, %dma_start3A_36] : memref<512x128xf32, #tpu.memory_space<vmem>> -> memref<128x128xf32, #tpu.memory_space<vmem>>
    %dma_start3A_38 = arith.constant 0 : i32
    %dma_start3A_39 = tpu.memref_slice %arg5[%dma_start3A_34, %dma_start3A_38] : memref<4x128xi32, #tpu.memory_space<vmem>> -> memref<1x128xi32, #tpu.memory_space<vmem>>
    %dma_start3A_40 = tpu.memref_squeeze %dma_start3A_39 : memref<1x128xi32, #tpu.memory_space<vmem>> -> memref<128xi32, #tpu.memory_space<vmem>>
    %dma_start3A_41 = arith.constant 0 : i32
    %dma_start3A_42 = arith.constant 0 : i32
    %dma_start3A_43 = tpu.memref_slice %arg3[%dma_start3A_41, %dma_start3A_42] : memref<100000x128xf32, #tpu.memory_space<hbm>> -> memref<100000x128xf32, #tpu.memory_space<hbm>>
    tpu.enqueue_indirect_dma source(%dma_start3A_43 : memref<100000x128xf32, #tpu.memory_space<hbm>>) target(%dma_start3A_37 : memref<128x128xf32, #tpu.memory_space<vmem>>) offsets(%dma_start3A_40 : memref<128xi32, #tpu.memory_space<vmem>>) semaphore(%arg7 : memref<!tpu.dma_semaphore, #tpu.memory_space<semaphore_mem>>)
    %dma_wait3A = arith.constant 0 : i32
    %dma_wait3A_44 = arith.constant 0 : i32
    %dma_wait3A_45 = arith.constant 0 : i32
    %dma_wait3A_46 = tpu.memref_slice %arg6[%dma_wait3A_44, %dma_wait3A_45] : memref<512x128xf32, #tpu.memory_space<vmem>> -> memref<128x128xf32, #tpu.memory_space<vmem>>
    %dma_wait3A_47 = arith.constant 0 : i32
    %dma_wait3A_48 = tpu.memref_slice %arg5[%dma_wait3A, %dma_wait3A_47] : memref<4x128xi32, #tpu.memory_space<vmem>> -> memref<1x128xi32, #tpu.memory_space<vmem>>
    %dma_wait3A_49 = tpu.memref_squeeze %dma_wait3A_48 : memref<1x128xi32, #tpu.memory_space<vmem>> -> memref<128xi32, #tpu.memory_space<vmem>>
    %dma_wait3A_50 = arith.constant 0 : i32
    %dma_wait3A_51 = arith.constant 0 : i32
    %dma_wait3A_52 = tpu.memref_slice %arg3[%dma_wait3A_50, %dma_wait3A_51] : memref<100000x128xf32, #tpu.memory_space<hbm>> -> memref<100000x128xf32, #tpu.memory_space<hbm>>
    tpu.wait_indirect_dma semaphore(%arg7 : memref<!tpu.dma_semaphore, #tpu.memory_space<semaphore_mem>>) src(%dma_wait3A_52 : memref<100000x128xf32, #tpu.memory_space<hbm>>) dst(%dma_wait3A_46 : memref<128x128xf32, #tpu.memory_space<vmem>>)
    %dma_wait3A_53 = arith.constant 1 : i32
    %dma_wait3A_54 = arith.constant 128 : i32
    %dma_wait3A_55 = arith.constant 0 : i32
    %dma_wait3A_56 = tpu.memref_slice %arg6[%dma_wait3A_54, %dma_wait3A_55] : memref<512x128xf32, #tpu.memory_space<vmem>> -> memref<128x128xf32, #tpu.memory_space<vmem>>
    %dma_wait3A_57 = arith.constant 0 : i32
    %dma_wait3A_58 = tpu.memref_slice %arg5[%dma_wait3A_53, %dma_wait3A_57] : memref<4x128xi32, #tpu.memory_space<vmem>> -> memref<1x128xi32, #tpu.memory_space<vmem>>
    %dma_wait3A_59 = tpu.memref_squeeze %dma_wait3A_58 : memref<1x128xi32, #tpu.memory_space<vmem>> -> memref<128xi32, #tpu.memory_space<vmem>>
    %dma_wait3A_60 = arith.constant 0 : i32
    %dma_wait3A_61 = arith.constant 0 : i32
    %dma_wait3A_62 = tpu.memref_slice %arg3[%dma_wait3A_60, %dma_wait3A_61] : memref<100000x128xf32, #tpu.memory_space<hbm>> -> memref<100000x128xf32, #tpu.memory_space<hbm>>
    tpu.wait_indirect_dma semaphore(%arg7 : memref<!tpu.dma_semaphore, #tpu.memory_space<semaphore_mem>>) src(%dma_wait3A_62 : memref<100000x128xf32, #tpu.memory_space<hbm>>) dst(%dma_wait3A_56 : memref<128x128xf32, #tpu.memory_space<vmem>>)
    %dma_wait3A_63 = arith.constant 2 : i32
    %dma_wait3A_64 = arith.constant 256 : i32
    %dma_wait3A_65 = arith.constant 0 : i32
    %dma_wait3A_66 = tpu.memref_slice %arg6[%dma_wait3A_64, %dma_wait3A_65] : memref<512x128xf32, #tpu.memory_space<vmem>> -> memref<128x128xf32, #tpu.memory_space<vmem>>
    %dma_wait3A_67 = arith.constant 0 : i32
    %dma_wait3A_68 = tpu.memref_slice %arg5[%dma_wait3A_63, %dma_wait3A_67] : memref<4x128xi32, #tpu.memory_space<vmem>> -> memref<1x128xi32, #tpu.memory_space<vmem>>
    %dma_wait3A_69 = tpu.memref_squeeze %dma_wait3A_68 : memref<1x128xi32, #tpu.memory_space<vmem>> -> memref<128xi32, #tpu.memory_space<vmem>>
    %dma_wait3A_70 = arith.constant 0 : i32
    %dma_wait3A_71 = arith.constant 0 : i32
    %dma_wait3A_72 = tpu.memref_slice %arg3[%dma_wait3A_70, %dma_wait3A_71] : memref<100000x128xf32, #tpu.memory_space<hbm>> -> memref<100000x128xf32, #tpu.memory_space<hbm>>
    tpu.wait_indirect_dma semaphore(%arg7 : memref<!tpu.dma_semaphore, #tpu.memory_space<semaphore_mem>>) src(%dma_wait3A_72 : memref<100000x128xf32, #tpu.memory_space<hbm>>) dst(%dma_wait3A_66 : memref<128x128xf32, #tpu.memory_space<vmem>>)
    %dma_wait3A_73 = arith.constant 3 : i32
    %dma_wait3A_74 = arith.constant 384 : i32
    %dma_wait3A_75 = arith.constant 0 : i32
    %dma_wait3A_76 = tpu.memref_slice %arg6[%dma_wait3A_74, %dma_wait3A_75] : memref<512x128xf32, #tpu.memory_space<vmem>> -> memref<128x128xf32, #tpu.memory_space<vmem>>
    %dma_wait3A_77 = arith.constant 0 : i32
    %dma_wait3A_78 = tpu.memref_slice %arg5[%dma_wait3A_73, %dma_wait3A_77] : memref<4x128xi32, #tpu.memory_space<vmem>> -> memref<1x128xi32, #tpu.memory_space<vmem>>
    %dma_wait3A_79 = tpu.memref_squeeze %dma_wait3A_78 : memref<1x128xi32, #tpu.memory_space<vmem>> -> memref<128xi32, #tpu.memory_space<vmem>>
    %dma_wait3A_80 = arith.constant 0 : i32
    %dma_wait3A_81 = arith.constant 0 : i32
    %dma_wait3A_82 = tpu.memref_slice %arg3[%dma_wait3A_80, %dma_wait3A_81] : memref<100000x128xf32, #tpu.memory_space<hbm>> -> memref<100000x128xf32, #tpu.memory_space<hbm>>
    tpu.wait_indirect_dma semaphore(%arg7 : memref<!tpu.dma_semaphore, #tpu.memory_space<semaphore_mem>>) src(%dma_wait3A_82 : memref<100000x128xf32, #tpu.memory_space<hbm>>) dst(%dma_wait3A_76 : memref<128x128xf32, #tpu.memory_space<vmem>>)
    "tpu.region"() ({
      %run_scoped3A = tpu.sem_alloc : memref<!tpu.dma_semaphore, #tpu.memory_space<semaphore_mem>>
      %dma_start3A_83 = arith.constant 0 : i32
      %dma_start3A_84 = tpu.memref_slice %arg4[%mul3A_2, %dma_start3A_83] : memref<16384x128xf32, #tpu.memory_space<hbm>> -> memref<512x128xf32, #tpu.memory_space<hbm>>
      %dma_start3A_85 = arith.constant 0 : i32
      %dma_start3A_86 = tpu.memref_slice %arg4[%mul3A_2, %dma_start3A_85] : memref<16384x128xf32, #tpu.memory_space<hbm>> -> memref<512x128xf32, #tpu.memory_space<hbm>>
      tpu.enqueue_dma source(%arg6 : memref<512x128xf32, #tpu.memory_space<vmem>>) target(%dma_start3A_86 : memref<512x128xf32, #tpu.memory_space<hbm>>) target_semaphore(%run_scoped3A : memref<!tpu.dma_semaphore, #tpu.memory_space<semaphore_mem>>)
      %dma_wait3A_87 = arith.constant 0 : i32
      %dma_wait3A_88 = tpu.memref_slice %arg4[%mul3A_2, %dma_wait3A_87] : memref<16384x128xf32, #tpu.memory_space<hbm>> -> memref<512x128xf32, #tpu.memory_space<hbm>>
      %dma_wait3A_89 = arith.constant 0 : i32
      %dma_wait3A_90 = tpu.memref_slice %arg4[%mul3A_2, %dma_wait3A_89] : memref<16384x128xf32, #tpu.memory_space<hbm>> -> memref<512x128xf32, #tpu.memory_space<hbm>>
      tpu.wait_dma2 semaphore(%run_scoped3A : memref<!tpu.dma_semaphore, #tpu.memory_space<semaphore_mem>>) src(%arg6 : memref<512x128xf32, #tpu.memory_space<vmem>>) dst(%dma_wait3A_90 : memref<512x128xf32, #tpu.memory_space<hbm>>)
      tpu.yield
    }) : () -> ()
    return
  }
}

module attributes {stable_mosaic.version = 14 : i64} {
  func.func @_t1_body(%arg0: i32, %arg1: memref<64x12800xf32, #tpu.memory_space<vmem>>, %arg2: memref<64x12800xf32, #tpu.memory_space<vmem>>, %arg3: memref<12800x128xf32, #tpu.memory_space<vmem>>) attributes {dimension_semantics = [#tpu.dimension_semantics<arbitrary>], iteration_bounds = array<i64: 8>, scalar_prefetch = 0 : i64, scratch_operands = 0 : i64, tpu.core_type = #tpu.core_type<tc>, window_params = [{transform_indices = @transform_0, window_bounds = array<i64: 64, 12800>}, {transform_indices = @transform_1, window_bounds = array<i64: 64, 12800>}, {transform_indices = @transform_2, window_bounds = array<i64: 12800, 128>}]} {
    %iota3A = tpu.iota {dimensions = array<i32: 0>} : vector<64x64xi32>
    %iota3A_0 = tpu.iota {dimensions = array<i32: 1>} : vector<64x64xi32>
    %add3A = arith.constant 0 : i32
    %add3A_1 = vector.broadcast %add3A : i32 to vector<64x64xi32>
    %add3A_2 = arith.addi %iota3A, %add3A_1 : vector<64x64xi32>
    %eq3A = arith.cmpi eq, %add3A_2, %iota3A_0 : vector<64x64xi32>
    %convert_element_type3A = arith.extui %eq3A : vector<64x64xi1> to vector<64x64xi32>
    %convert_element_type3A_3 = arith.sitofp %convert_element_type3A : vector<64x64xi32> to vector<64x64xf32>
    %get3A = arith.constant 0 : index
    %get3A_4 = arith.constant 0 : index
    %get3A_5 = vector.load %arg1[%get3A, %get3A_4] : memref<64x12800xf32, #tpu.memory_space<vmem>>, vector<64x12800xf32>
    %dot_general3A = arith.constant dense<0.000000e+00> : vector<12800x64xf32>
    %dot_general3A_6 = tpu.matmul %get3A_5, %convert_element_type3A_3, %dot_general3A {dimension_numbers = #tpu.dot_dimension_numbers<[0], [0], [1], [1], [0, 1, 1, 1], [], []>, transpose_lhs_hint = false} : vector<64x12800xf32>, vector<64x64xf32>, vector<12800x64xf32> -> vector<12800x64xf32>
    %swap3A = arith.constant 0 : index
    %swap3A_7 = arith.constant 0 : index
    %swap3A_8 = vector.load %arg3[%swap3A, %swap3A_7] : memref<12800x128xf32, #tpu.memory_space<vmem>>, vector<12800x64xf32>
    tpu.vector_store %arg3[%swap3A, %swap3A_7], %dot_general3A_6 {strides = array<i32>} : memref<12800x128xf32, #tpu.memory_space<vmem>>, vector<12800x64xf32>,
    %get3A_9 = arith.constant 0 : index
    %get3A_10 = arith.constant 0 : index
    %get3A_11 = vector.load %arg2[%get3A_9, %get3A_10] : memref<64x12800xf32, #tpu.memory_space<vmem>>, vector<64x12800xf32>
    %dot_general3A_12 = arith.constant dense<0.000000e+00> : vector<12800x64xf32>
    %dot_general3A_13 = tpu.matmul %get3A_11, %convert_element_type3A_3, %dot_general3A_12 {dimension_numbers = #tpu.dot_dimension_numbers<[0], [0], [1], [1], [0, 1, 1, 1], [], []>, transpose_lhs_hint = false} : vector<64x12800xf32>, vector<64x64xf32>, vector<12800x64xf32> -> vector<12800x64xf32>
    %swap3A_14 = arith.constant 0 : index
    %swap3A_15 = arith.constant 64 : index
    %swap3A_16 = vector.load %arg3[%swap3A_14, %swap3A_15] : memref<12800x128xf32, #tpu.memory_space<vmem>>, vector<12800x64xf32>
    tpu.vector_store %arg3[%swap3A_14, %swap3A_15], %dot_general3A_13 {strides = array<i32>} : memref<12800x128xf32, #tpu.memory_space<vmem>>, vector<12800x64xf32>,
    return
  }
  func.func @transform_0(%arg0: i32) -> (i32, i32) {
    %c0_i32 = arith.constant 0 : i32
    %c0_i32_0 = arith.constant 0 : i32
    return %c0_i32, %arg0 : i32, i32
  }
  func.func @transform_1(%arg0: i32) -> (i32, i32) {
    %c0_i32 = arith.constant 0 : i32
    %c0_i32_0 = arith.constant 0 : i32
    return %c0_i32, %arg0 : i32, i32
  }
  func.func @transform_2(%arg0: i32) -> (i32, i32) {
    %c0_i32 = arith.constant 0 : i32
    %c0_i32_0 = arith.constant 0 : i32
    return %arg0, %c0_i32 : i32, i32
  }
}

module attributes {stable_mosaic.version = 14 : i64} {
  func.func @_t2_body(%arg0: i32, %arg1: memref<13x8192xf32, #tpu.memory_space<vmem>>, %arg2: memref<13x8192xf32, #tpu.memory_space<vmem>>, %arg3: memref<8192x128xf32, #tpu.memory_space<vmem>>, %arg4: memref<13x64xf32, #tpu.memory_space<vmem>>, %arg5: memref<64x1xf32, #tpu.memory_space<vmem>>, %arg6: memref<64x64xf32, #tpu.memory_space<vmem>>, %arg7: memref<64x1xf32, #tpu.memory_space<vmem>>, %arg8: memref<13x64xf32, #tpu.memory_space<vmem>>, %arg9: memref<64x1xf32, #tpu.memory_space<vmem>>, %arg10: memref<64x64xf32, #tpu.memory_space<vmem>>, %arg11: memref<64x1xf32, #tpu.memory_space<vmem>>, %arg12: memref<64x1xf32, #tpu.memory_space<vmem>>, %arg13: memref<1x1xf32, #tpu.memory_space<vmem>>, %arg14: memref<1x8192xf32, #tpu.memory_space<vmem>>, %arg15: memref<64x8192xf32, #tpu.memory_space<vmem>>, %arg16: memref<64x8192xf32, #tpu.memory_space<vmem>>) attributes {dimension_semantics = [#tpu.dimension_semantics<arbitrary>], iteration_bounds = array<i64: 2>, scalar_prefetch = 0 : i64, scratch_operands = 0 : i64, tpu.core_type = #tpu.core_type<tc>, window_params = [{transform_indices = @transform_0, window_bounds = array<i64: 13, 8192>}, {transform_indices = @transform_1, window_bounds = array<i64: 13, 8192>}, {transform_indices = @transform_2, window_bounds = array<i64: 8192, 128>}, {pipeline_mode = #tpu.pipeline_mode<synchronous>, transform_indices = @transform_3, window_bounds = array<i64: 13, 64>}, {pipeline_mode = #tpu.pipeline_mode<synchronous>, transform_indices = @transform_4, window_bounds = array<i64: 64, 1>}, {pipeline_mode = #tpu.pipeline_mode<synchronous>, transform_indices = @transform_5, window_bounds = array<i64: 64, 64>}, {pipeline_mode = #tpu.pipeline_mode<synchronous>, transform_indices = @transform_6, window_bounds = array<i64: 64, 1>}, {pipeline_mode = #tpu.pipeline_mode<synchronous>, transform_indices = @transform_7, window_bounds = array<i64: 13, 64>}, {pipeline_mode = #tpu.pipeline_mode<synchronous>, transform_indices = @transform_8, window_bounds = array<i64: 64, 1>}, {pipeline_mode = #tpu.pipeline_mode<synchronous>, transform_indices = @transform_9, window_bounds = array<i64: 64, 64>}, {pipeline_mode = #tpu.pipeline_mode<synchronous>, transform_indices = @transform_10, window_bounds = array<i64: 64, 1>}, {pipeline_mode = #tpu.pipeline_mode<synchronous>, transform_indices = @transform_11, window_bounds = array<i64: 64, 1>}, {pipeline_mode = #tpu.pipeline_mode<synchronous>, transform_indices = @transform_12, window_bounds = array<i64: 1, 1>}, {transform_indices = @transform_13, window_bounds = array<i64: 1, 8192>}, {transform_indices = @transform_14, window_bounds = array<i64: 64, 8192>}, {transform_indices = @transform_15, window_bounds = array<i64: 64, 8192>}]} {
    %get3A = arith.constant 0 : index
    %get3A_0 = arith.constant 0 : index
    %get3A_1 = vector.load %arg4[%get3A, %get3A_0] : memref<13x64xf32, #tpu.memory_space<vmem>>, vector<13x64xf32>
    %get3A_2 = arith.constant 0 : index
    %get3A_3 = arith.constant 0 : index
    %get3A_4 = vector.load %arg1[%get3A_2, %get3A_3] : memref<13x8192xf32, #tpu.memory_space<vmem>>, vector<13x8192xf32>
    %dot_general3A = arith.constant dense<0.000000e+00> : vector<64x8192xf32>
    %dot_general3A_5 = tpu.matmul %get3A_1, %get3A_4, %dot_general3A {dimension_numbers = #tpu.dot_dimension_numbers<[0], [0], [1], [1], [0, 1, 1, 1], [], []>, transpose_lhs_hint = false} : vector<13x64xf32>, vector<13x8192xf32>, vector<64x8192xf32> -> vector<64x8192xf32>
    %get3A_6 = arith.constant 0 : index
    %get3A_7 = arith.constant 0 : index
    %get3A_8 = vector.load %arg5[%get3A_6, %get3A_7] : memref<64x1xf32, #tpu.memory_space<vmem>>, vector<64x1xf32>
    %add3A = vector.broadcast %get3A_8 : vector<64x1xf32> to vector<64x8192xf32>
    %add3A_9 = arith.addf %dot_general3A_5, %add3A : vector<64x8192xf32>
    %max3A = arith.constant 0.000000e+00 : f32
    %max3A_10 = vector.broadcast %max3A : f32 to vector<64x8192xf32>
    %max3A_11 = arith.maximumf %add3A_9, %max3A_10 : vector<64x8192xf32>
    %get3A_12 = arith.constant 0 : index
    %get3A_13 = arith.constant 0 : index
    %get3A_14 = vector.load %arg6[%get3A_12, %get3A_13] : memref<64x64xf32, #tpu.memory_space<vmem>>, vector<64x64xf32>
    %dot_general3A_15 = arith.constant dense<0.000000e+00> : vector<64x8192xf32>
    %dot_general3A_16 = tpu.matmul %get3A_14, %max3A_11, %dot_general3A_15 {dimension_numbers = #tpu.dot_dimension_numbers<[0], [0], [1], [1], [0, 1, 1, 1], [], []>, transpose_lhs_hint = false} : vector<64x64xf32>, vector<64x8192xf32>, vector<64x8192xf32> -> vector<64x8192xf32>
    %get3A_17 = arith.constant 0 : index
    %get3A_18 = arith.constant 0 : index
    %get3A_19 = vector.load %arg7[%get3A_17, %get3A_18] : memref<64x1xf32, #tpu.memory_space<vmem>>, vector<64x1xf32>
    %add3A_20 = vector.broadcast %get3A_19 : vector<64x1xf32> to vector<64x8192xf32>
    %add3A_21 = arith.addf %dot_general3A_16, %add3A_20 : vector<64x8192xf32>
    %max3A_22 = arith.constant 0.000000e+00 : f32
    %max3A_23 = vector.broadcast %max3A_22 : f32 to vector<64x8192xf32>
    %max3A_24 = arith.maximumf %add3A_21, %max3A_23 : vector<64x8192xf32>
    %get3A_25 = arith.constant 0 : index
    %get3A_26 = arith.constant 0 : index
    %get3A_27 = vector.load %arg8[%get3A_25, %get3A_26] : memref<13x64xf32, #tpu.memory_space<vmem>>, vector<13x64xf32>
    %get3A_28 = arith.constant 0 : index
    %get3A_29 = arith.constant 0 : index
    %get3A_30 = vector.load %arg2[%get3A_28, %get3A_29] : memref<13x8192xf32, #tpu.memory_space<vmem>>, vector<13x8192xf32>
    %dot_general3A_31 = arith.constant dense<0.000000e+00> : vector<64x8192xf32>
    %dot_general3A_32 = tpu.matmul %get3A_27, %get3A_30, %dot_general3A_31 {dimension_numbers = #tpu.dot_dimension_numbers<[0], [0], [1], [1], [0, 1, 1, 1], [], []>, transpose_lhs_hint = false} : vector<13x64xf32>, vector<13x8192xf32>, vector<64x8192xf32> -> vector<64x8192xf32>
    %get3A_33 = arith.constant 0 : index
    %get3A_34 = arith.constant 0 : index
    %get3A_35 = vector.load %arg9[%get3A_33, %get3A_34] : memref<64x1xf32, #tpu.memory_space<vmem>>, vector<64x1xf32>
    %add3A_36 = vector.broadcast %get3A_35 : vector<64x1xf32> to vector<64x8192xf32>
    %add3A_37 = arith.addf %dot_general3A_32, %add3A_36 : vector<64x8192xf32>
    %max3A_38 = arith.constant 0.000000e+00 : f32
    %max3A_39 = vector.broadcast %max3A_38 : f32 to vector<64x8192xf32>
    %max3A_40 = arith.maximumf %add3A_37, %max3A_39 : vector<64x8192xf32>
    %get3A_41 = arith.constant 0 : index
    %get3A_42 = arith.constant 0 : index
    %get3A_43 = vector.load %arg10[%get3A_41, %get3A_42] : memref<64x64xf32, #tpu.memory_space<vmem>>, vector<64x64xf32>
    %dot_general3A_44 = arith.constant dense<0.000000e+00> : vector<64x8192xf32>
    %dot_general3A_45 = tpu.matmul %get3A_43, %max3A_40, %dot_general3A_44 {dimension_numbers = #tpu.dot_dimension_numbers<[0], [0], [1], [1], [0, 1, 1, 1], [], []>, transpose_lhs_hint = false} : vector<64x64xf32>, vector<64x8192xf32>, vector<64x8192xf32> -> vector<64x8192xf32>
    %get3A_46 = arith.constant 0 : index
    %get3A_47 = arith.constant 0 : index
    %get3A_48 = vector.load %arg11[%get3A_46, %get3A_47] : memref<64x1xf32, #tpu.memory_space<vmem>>, vector<64x1xf32>
    %add3A_49 = vector.broadcast %get3A_48 : vector<64x1xf32> to vector<64x8192xf32>
    %add3A_50 = arith.addf %dot_general3A_45, %add3A_49 : vector<64x8192xf32>
    %max3A_51 = arith.constant 0.000000e+00 : f32
    %max3A_52 = vector.broadcast %max3A_51 : f32 to vector<64x8192xf32>
    %max3A_53 = arith.maximumf %add3A_50, %max3A_52 : vector<64x8192xf32>
    %mul3A = arith.constant 5.000000e-01 : f32
    %mul3A_54 = vector.broadcast %mul3A : f32 to vector<64x8192xf32>
    %mul3A_55 = arith.mulf %mul3A_54, %max3A_24 : vector<64x8192xf32>
    %mul3A_56 = arith.constant 3.000000e-01 : f32
    %mul3A_57 = vector.broadcast %mul3A_56 : f32 to vector<64x8192xf32>
    %mul3A_58 = arith.mulf %mul3A_57, %max3A_53 : vector<64x8192xf32>
    %add3A_59 = arith.addf %mul3A_55, %mul3A_58 : vector<64x8192xf32>
    %get3A_60 = arith.constant 0 : index
    %get3A_61 = arith.constant 0 : index
    %get3A_62 = vector.load %arg3[%get3A_60, %get3A_61] : memref<8192x128xf32, #tpu.memory_space<vmem>>, vector<8192x128xf32>
    %transpose3A = tpu.transpose %get3A_62, [1, 0] : vector<8192x128xf32> -> vector<128x8192xf32>
    %slice3A = vector.extract_strided_slice %transpose3A {offsets = [0, 0], sizes = [64, 8192], strides = [1, 1]} : vector<128x8192xf32> to vector<64x8192xf32>
    %slice3A_63 = vector.extract_strided_slice %transpose3A {offsets = [64, 0], sizes = [64, 8192], strides = [1, 1]} : vector<128x8192xf32> to vector<64x8192xf32>
    %swap3A = arith.constant 0 : index
    %swap3A_64 = arith.constant 0 : index
    %swap3A_65 = vector.load %arg15[%swap3A, %swap3A_64] : memref<64x8192xf32, #tpu.memory_space<vmem>>, vector<64x8192xf32>
    tpu.vector_store %arg15[%swap3A, %swap3A_64], %slice3A {strides = array<i32>} : memref<64x8192xf32, #tpu.memory_space<vmem>>, vector<64x8192xf32>,
    %swap3A_66 = arith.constant 0 : index
    %swap3A_67 = arith.constant 0 : index
    %swap3A_68 = vector.load %arg16[%swap3A_66, %swap3A_67] : memref<64x8192xf32, #tpu.memory_space<vmem>>, vector<64x8192xf32>
    tpu.vector_store %arg16[%swap3A_66, %swap3A_67], %slice3A_63 {strides = array<i32>} : memref<64x8192xf32, #tpu.memory_space<vmem>>, vector<64x8192xf32>,
    %get3A_69 = arith.constant 0 : index
    %get3A_70 = arith.constant 0 : index
    %get3A_71 = vector.load %arg12[%get3A_69, %get3A_70] : memref<64x1xf32, #tpu.memory_space<vmem>>, vector<64x1xf32>
    %add3A_72 = arith.addf %slice3A, %slice3A_63 : vector<64x8192xf32>
    %add3A_73 = arith.addf %add3A_72, %add3A_59 : vector<64x8192xf32>
    %dot_general3A_74 = arith.constant dense<0.000000e+00> : vector<1x8192xf32>
    %dot_general3A_75 = tpu.matmul %get3A_71, %add3A_73, %dot_general3A_74 {dimension_numbers = #tpu.dot_dimension_numbers<[0], [0], [1], [1], [0, 1, 1, 1], [], []>, transpose_lhs_hint = false} : vector<64x1xf32>, vector<64x8192xf32>, vector<1x8192xf32> -> vector<1x8192xf32>
    %get3A_76 = arith.constant 0 : index
    %get3A_77 = arith.constant 0 : index
    %get3A_78 = vector.load %arg13[%get3A_76, %get3A_77] : memref<1x1xf32, #tpu.memory_space<vmem>>, vector<1x1xf32>
    %add3A_79 = vector.broadcast %get3A_78 : vector<1x1xf32> to vector<1x8192xf32>
    %add3A_80 = arith.addf %dot_general3A_75, %add3A_79 : vector<1x8192xf32>
    %logistic3A = arith.negf %add3A_80 : vector<1x8192xf32>
    %logistic3A_81 = math.exp %logistic3A : vector<1x8192xf32>
    %logistic3A_82 = arith.constant 1.000000e+00 : f32
    %logistic3A_83 = vector.broadcast %logistic3A_82 : f32 to vector<1x8192xf32>
    %logistic3A_84 = arith.addf %logistic3A_83, %logistic3A_81 : vector<1x8192xf32>
    %logistic3A_85 = arith.divf %logistic3A_83, %logistic3A_84 : vector<1x8192xf32>
    %swap3A_86 = arith.constant 0 : index
    %swap3A_87 = arith.constant 0 : index
    %swap3A_88 = vector.load %arg14[%swap3A_86, %swap3A_87] : memref<1x8192xf32, #tpu.memory_space<vmem>>, vector<1x8192xf32>
    tpu.vector_store %arg14[%swap3A_86, %swap3A_87], %logistic3A_85 {strides = array<i32>} : memref<1x8192xf32, #tpu.memory_space<vmem>>, vector<1x8192xf32>,
    return
  }
  func.func @transform_0(%arg0: i32) -> (i32, i32) {
    %c0_i32 = arith.constant 0 : i32
    %c0_i32_0 = arith.constant 0 : i32
    return %c0_i32, %arg0 : i32, i32
  }
  func.func @transform_1(%arg0: i32) -> (i32, i32) {
    %c0_i32 = arith.constant 0 : i32
    %c0_i32_0 = arith.constant 0 : i32
    return %c0_i32, %arg0 : i32, i32
  }
  func.func @transform_2(%arg0: i32) -> (i32, i32) {
    %c0_i32 = arith.constant 0 : i32
    %c0_i32_0 = arith.constant 0 : i32
    return %arg0, %c0_i32 : i32, i32
  }
  func.func @transform_3(%arg0: i32) -> (i32, i32) {
    %c0_i32 = arith.constant 0 : i32
    %c0_i32_0 = arith.constant 0 : i32
    %c0_i32_1 = arith.constant 0 : i32
    return %c0_i32, %c0_i32_0 : i32, i32
  }
  func.func @transform_4(%arg0: i32) -> (i32, i32) {
    %c0_i32 = arith.constant 0 : i32
    %c0_i32_0 = arith.constant 0 : i32
    %c0_i32_1 = arith.constant 0 : i32
    return %c0_i32, %c0_i32_0 : i32, i32
  }
  func.func @transform_5(%arg0: i32) -> (i32, i32) {
    %c0_i32 = arith.constant 0 : i32
    %c0_i32_0 = arith.constant 0 : i32
    %c0_i32_1 = arith.constant 0 : i32
    return %c0_i32, %c0_i32_0 : i32, i32
  }
  func.func @transform_6(%arg0: i32) -> (i32, i32) {
    %c0_i32 = arith.constant 0 : i32
    %c0_i32_0 = arith.constant 0 : i32
    %c0_i32_1 = arith.constant 0 : i32
    return %c0_i32, %c0_i32_0 : i32, i32
  }
  func.func @transform_7(%arg0: i32) -> (i32, i32) {
    %c0_i32 = arith.constant 0 : i32
    %c0_i32_0 = arith.constant 0 : i32
    %c0_i32_1 = arith.constant 0 : i32
    return %c0_i32, %c0_i32_0 : i32, i32
  }
  func.func @transform_8(%arg0: i32) -> (i32, i32) {
    %c0_i32 = arith.constant 0 : i32
    %c0_i32_0 = arith.constant 0 : i32
    %c0_i32_1 = arith.constant 0 : i32
    return %c0_i32, %c0_i32_0 : i32, i32
  }
  func.func @transform_9(%arg0: i32) -> (i32, i32) {
    %c0_i32 = arith.constant 0 : i32
    %c0_i32_0 = arith.constant 0 : i32
    %c0_i32_1 = arith.constant 0 : i32
    return %c0_i32, %c0_i32_0 : i32, i32
  }
  func.func @transform_10(%arg0: i32) -> (i32, i32) {
    %c0_i32 = arith.constant 0 : i32
    %c0_i32_0 = arith.constant 0 : i32
    %c0_i32_1 = arith.constant 0 : i32
    return %c0_i32, %c0_i32_0 : i32, i32
  }
  func.func @transform_11(%arg0: i32) -> (i32, i32) {
    %c0_i32 = arith.constant 0 : i32
    %c0_i32_0 = arith.constant 0 : i32
    %c0_i32_1 = arith.constant 0 : i32
    return %c0_i32, %c0_i32_0 : i32, i32
  }
  func.func @transform_12(%arg0: i32) -> (i32, i32) {
    %c0_i32 = arith.constant 0 : i32
    %c0_i32_0 = arith.constant 0 : i32
    %c0_i32_1 = arith.constant 0 : i32
    return %c0_i32, %c0_i32_0 : i32, i32
  }
  func.func @transform_13(%arg0: i32) -> (i32, i32) {
    %c0_i32 = arith.constant 0 : i32
    %c0_i32_0 = arith.constant 0 : i32
    return %c0_i32, %arg0 : i32, i32
  }
  func.func @transform_14(%arg0: i32) -> (i32, i32) {
    %c0_i32 = arith.constant 0 : i32
    %c0_i32_0 = arith.constant 0 : i32
    return %c0_i32, %arg0 : i32, i32
  }
  func.func @transform_15(%arg0: i32) -> (i32, i32) {
    %c0_i32 = arith.constant 0 : i32
    %c0_i32_0 = arith.constant 0 : i32
    return %c0_i32, %arg0 : i32, i32
  }
}

</mosaic_0001>

<sc_bundles>
// kernel: kernel.5.cloned.1.call-start
scs
__scs_entry_jumppad:
0x0: {  	(pc) =	sbr.rel $0x88, $3  }
0x1: {  	(tag) =	ssettag $0x0;
	lr =	simm.s32 $0x1  }
0x2: {  	[smem:$0x3F92] =	sst lr;
	_ =	strace $0xD0000000  }
0x3: {  	_ = 	snop  }
0x4: {  	_ = 	snop  }
0x5: {  	_ = 	snop  }
0x6: {  	_ = 	snop  }
0x7: {  	_ = 	snop  }
__scs_overlays_trampoline_lowered:
0x8: {  	[smem:$0x3FA1] =	sst s0  }
0x9: {  	[smem:$0x3FA2] =	sst s1  }
0xa: {  	[smem:$0x3FA3] =	sst s2  }
0xb: {  	[smem:$0x3FA4] =	sst s3  }
0xc: {  	[smem:$0x3FA5] =	sst s4  }
0xd: {  	[smem:$0x3FA6] =	sst s5  }
0xe: {  	[smem:$0x3FA7] =	sst s6  }
0xf: {  	[smem:$0x3FA8] =	sst s7  }
0x10: {  	[smem:$0x3FA9] =	sst s8  }
0x11: {  	[smem:$0x3FAA] =	sst s9;
	s0 =	simm.s32 @!p0 $0x0  }
0x12: {  	s1 =	sld [smem:$0x3F90];
	s0 =	simm.s32 @p0 $0x1  }
0x13: {  	[smem:$0x3FAB] =	sst s0;
	s0 =	simm.s32 @!p1 $0x0  }
0x14: {  	s2 =	sld [smem:$0x3F8F];
	s0 =	simm.s32 @p1 $0x1  }
0x15: {  	[smem:$0x3FAC] =	sst s0;
	s0 =	simm.s32 @!p2 $0x0  }
0x16: {  	s3 =	sld [smem:$0x3FDB];
	s0 =	simm.s32 @p2 $0x1  }
0x17: {  	s4 =	simm.s32 $0x1BF5;
	[smem:$0x3FAE] =	sst s0  }
0x18: {  	s0 =	sld [smem:$0x3F91];
	_ =	swait.ge [sflag:s4], $0x0  }
0x19: {  	s7 =	sld [smem:$0x3F92]  }
0x1a: {  	s8 =	sadd.s32 $0xFFFFE003, lr  }
0x1b: {  	s9 =	sadd.s32 $0xFFFFFEF7, lr;
	s5 =	simm.s32 $0xFFFFFFFF;
	p2 =	slt.u32 s8, $0xFFFFF086  }
0x1c: {  	p1 =	slt.u32 s9, $0xF7A;
	s5 =	simm.s32 @!p2 $0x0  }
0x1d: {  	s5 =	simm.s32 @p1 $0x1;
	p0 =	seq.s32 s7, s2  }
0x1e: {  	s7 =	smul.u32 @!p0 $0xF7A, s2;
	p2 =	seq.s32 @!p0 s5, $0x0  }
0x1f: {  	s9 =	smul.u32 $0xF7A, s1;
	s8 =	simm.s32 @!p0 $0x1BF5;
	p2 =	por !p2, p0  }
0x20: {  	[sflag:s8] =	ssyncset.s32 @!p0 $0xFFFFF086;
	s6 =	sadd.s32 @!p0 s3, s7;
	s7 =	simm.s32 @!p0 $0x108  }
0x21: {  	s3 =	sadd.s32 s3, s9;
	s6 =	sadd.s32 @!p0 $0x88, s6;
	s7 =	simm.s32 @p2 $0x1082  }
0x22: {  	[simem:s7], [sflag:s8] =	dma.local @!p0 [hbm:s6], $0xF7A  }
0x23: {  	s9 =	sor.u32 $0xD0000000, s2;
	s6 =	simm.s32 $0x108;
	_ =	swait.ge @!p0 [sflag:s8], $0x0  }
0x24: {  	s3 =	sadd.s32 $0x88, s3;
	s6 =	simm.s32 @!p1 $0x1082;
	[sflag:s4] =	ssyncset.s32 $0xFFFFF086  }
0x25: {  	[simem:s6], [sflag:s4] =	dma.local [hbm:s3], $0xF7A  }
0x26: {  	[smem:$0x3F92] =	sst s1;
	(tag) =	ssettag s2;
	_ =	strace s9  }
0x27: {  	s1 =	sld [smem:$0x3FA2]  }
0x28: {  	s2 =	sld [smem:$0x3FA3]  }
0x29: {  	s4 =	sld [smem:$0x3FA5]  }
0x2a: {  	p0 =	seq.s32 s5, $0x0;
	s5 =	sld [smem:$0x3FA6]  }
0x2b: {  	s6 =	sld [smem:$0x3FA7]  }
0x2c: {  	s7 =	sld [smem:$0x3FA8]  }
0x2d: {  	s3 =	simm.s32 $0x108;
	s8 =	sld [smem:$0x3FA9]  }
0x2e: {  	s3 =	simm.s32 @!p0 $0x1082;
	s9 =	sld [smem:$0x3FAA]  }
0x2f: {  	lr =	sadd.s32 s0, s3;
	s0 =	sld [smem:$0x3FA1]  }
0x30: {  	s3 =	sld [smem:$0x3FA4]  }
0x31: {  	[smem:$0x3FAD] =	sst s10  }
0x32: {  	s10 =	sld [smem:$0x3FAB];
	_ =	sdelay $0x3  }
0x33: {  	p0 =	seq.s32 s10, $0x1;
	s10 =	sld [smem:$0x3FAD];
	_ =	sdelay $0x3  }
0x34: {  	[smem:$0x3FAD] =	sst s10  }
0x35: {  	s10 =	sld [smem:$0x3FAC];
	_ =	sdelay $0x3  }
0x36: {  	p1 =	seq.s32 s10, $0x1;
	s10 =	sld [smem:$0x3FAD];
	_ =	sdelay $0x3  }
0x37: {  	[smem:$0x3FAD] =	sst s10  }
0x38: {  	s10 =	sld [smem:$0x3FAE]  }
0x39: {  	_ = 	snop;
	(pc) =	sbr.ind lr, $3  }
0x3a: {  	_ = 	snop  }
0x3b: {  	_ = 	snop  }
0x3c: {  	p2 =	seq.s32 s10, $0x1;
	s10 =	sld [smem:$0x3FAD]  }
0x3d: {  	_ =	shalt  }
0x3e: {  	_ =	shalt  }
0x3f: {  	_ =	shalt  }
0x40: {  	_ =	shalt  }
0x41: {  	_ =	shalt  }
0x42: {  	_ =	shalt  }
0x43: {  	_ =	shalt  }
0x44: {  	_ =	shalt  }
0x45: {  	_ =	shalt  }
0x46: {  	_ =	shalt  }
0x47: {  	_ =	shalt  }
0x48: {  	_ =	shalt  }
0x49: {  	_ =	shalt  }
0x4a: {  	_ =	shalt  }
0x4b: {  	_ =	shalt  }
0x4c: {  	_ =	shalt  }
0x4d: {  	_ =	shalt  }
0x4e: {  	_ =	shalt  }
0x4f: {  	_ =	shalt  }
0x50: {  	_ =	shalt  }
0x51: {  	_ =	shalt  }
0x52: {  	_ =	shalt  }
0x53: {  	_ =	shalt  }
0x54: {  	_ =	shalt  }
0x55: {  	_ =	shalt  }
0x56: {  	_ =	shalt  }
0x57: {  	_ =	shalt  }
0x58: {  	_ =	shalt  }
0x59: {  	_ =	shalt  }
0x5a: {  	_ =	shalt  }
0x5b: {  	_ =	shalt  }
0x5c: {  	_ =	shalt  }
0x5d: {  	_ =	shalt  }
0x5e: {  	_ =	shalt  }
0x5f: {  	_ =	shalt  }
0x60: {  	_ =	shalt  }
0x61: {  	_ =	shalt  }
0x62: {  	_ =	shalt  }
0x63: {  	_ =	shalt  }
0x64: {  	_ =	shalt  }
0x65: {  	_ =	shalt  }
0x66: {  	_ =	shalt  }
0x67: {  	_ =	shalt  }
0x68: {  	_ =	shalt  }
0x69: {  	_ =	shalt  }
0x6a: {  	_ =	shalt  }
0x6b: {  	_ =	shalt  }
0x6c: {  	_ =	shalt  }
0x6d: {  	_ =	shalt  }
0x6e: {  	_ =	shalt  }
0x6f: {  	_ =	shalt  }
0x70: {  	_ =	shalt  }
0x71: {  	_ =	shalt  }
0x72: {  	_ =	shalt  }
0x73: {  	_ =	shalt  }
0x74: {  	_ =	shalt  }
0x75: {  	_ =	shalt  }
0x76: {  	_ =	shalt  }
0x77: {  	_ =	shalt  }
0x78: {  	_ =	shalt  }
0x79: {  	_ =	shalt  }
0x7a: {  	_ =	shalt  }
0x7b: {  	_ =	shalt  }
0x7c: {  	_ =	shalt  }
0x7d: {  	_ =	shalt  }
0x7e: {  	_ =	shalt  }
0x7f: {  	_ =	shalt  }
0x80: {  	_ =	shalt  }
0x81: {  	_ =	shalt  }
0x82: {  	_ =	shalt  }
0x83: {  	_ =	shalt  }
0x84: {  	_ =	shalt  }
0x85: {  	_ =	shalt  }
0x86: {  	_ =	shalt  }
0x87: {  	_ =	shalt  }
.Lfunc_end0:
.L_simem_size_0:
called_computation_lowered:
.L_overlay_start_0:
0x88: {  	s2 =	sld [smem:$0x3FD9]  }
0x89: {  	s3 =	sld [smem:$0x3FFE];
	_ =	sdelay $0x1  }
0x8a: {  	s1 =	srdreg.scid  }
0x8b: {  	s0 =	sand.u32 $0x1, s1  }
0x8c: {  	s17 =	sshll.u32 s0, $0xA;
	s2 =	sadd.s32 s3, s2  }
0x8d: {  	s2 =	sadd.s32 s2, s17  }
0x8e: {  	[smem:$0x3FB9] =	sst s2  }
0x8f: {  	_ = 	snop  }
0x90: {  	s2 =	sld [smem:$0x3FC9];
	(tm) =	ssettm $0x1  }
0x91: {  	s18 =	sld [smem:$0x3FFB];
	_ =	sdelay $0x3  }
0x92: {  	_ =	strace s18  }
0x93: {  	s3 =	sld [smem:$0x3FFC];
	_ =	sdelay $0x3  }
0x94: {  	_ =	strace s3  }
0x95: {  	s3 =	sld [smem:$0x3FFD];
	_ =	sdelay $0x3  }
0x96: {  	_ =	strace s3  }
0x97: {  	_ =	strace $0x8FFFFFFF  }
0x98: {  	s19 =	sld [smem:$0x3FDB];
	_ =	sdelay $0x1  }
0x99: {  	s4 =	simm.s32 $_scs_section_size  }
0x9a: {  	s5 =	simm.s32 $_size__tile_overlayer_lowered;
	s6 =	simm.s32 $_tile_overlayer_lowered  }
0x9b: {  	s22 =	simm.s32 $0x1BFF;
	s21 =	sshll.u32 s6, $0x1;
	s3 =	sadd.s32 s4, s19  }
0x9c: {  	s7 =	simm.s32 $0x0;
	s20 =	sshll.u32 s5, $0x1;
	s5 =	sadd.s32 s21, s3  }
0x9d: {  	[timem:s7], [sflag:s22] =	dma.local [hbm:s5], s20  }
0x9e: {  	_ =	swait.ge [sflag:s22], s20  }
0x9f: {  	s4 =	ssub.s32 $0x0, s20;
	[sflag:s22] =	ssyncset.done $0x0  }
0xa0: {  	[sflag:s22] =	ssyncadd.s32 s4;
	_ =	sdelay $0x1  }
0xa1: {  	s23 =	simm.s32 $0x1B8B  }
0xa2: {  	_ =	swait.ge [sflag:s23], $0x1  }
0xa3: {  	[sflag:s23] =	ssyncset.done $0x0  }
0xa4: {  	s25 =	simm.s32 $0x1B8E;
	s24 =	sld [smem:$0x3FFE];
	[sflag:s23] =	ssyncadd.s32 $0xFFFFFFFF  }
0xa5: {  	s26 =	simm.s32 $execute0_lowered;
	[smem:$0x3FD2] =	sst s25  }
0xa6: {  	s5 =	sshll.u32 s26, $0x1;
	_ =	strace $0x80000046;
	[dreg:$0x1] =	wrdreg $0xFFFFFFFF  }
0xa7: {  	s28 =	simm.s32 $_size_execute0_lowered;
	s3 =	sadd.s32 s3, s5;
	[dreg:$0x0] =	wrdreg $0x0  }
0xa8: {  	s5 =	sshll.u32 s28, $0x1;
	[dreg:$0x2] =	wrdreg s3  }
0xa9: {  	[dreg:$0x3] =	wrdreg s5  }
0xaa: {  	[dreg:$0x4] =	wrdreg $0xC0  }
0xab: {  	_ =	task [dreg:s7], $0x5FFFF  }
0xac: {  	[dreg:$0x1] =	wrdreg $0xFFFFFFFF  }
0xad: {  	[dreg:$0x0] =	wrdreg $0x60  }
0xae: {  	[dreg:$0x2] =	wrdreg s2  }
0xaf: {  	[dreg:$0x3] =	wrdreg s24  }
0xb0: {  	[dreg:$0x4] =	wrdreg $0x9  }
0xb1: {  	_ =	task.clear_ibuf [dreg:s7], $0x5FFFF;
	_ =	strace $0x90000046  }
0xb2: {  	s29 =	simm.s32 $0x9;
	_ =	strace $0x80000048  }
0xb3: {  	_ =	swait.ge [sflag:s29], $0x1  }
0xb4: {  	[sflag:s29] =	ssyncadd.s32 $0xFFFFFFFF  }
0xb5: {  	_ =	strace $0x90000048  }
0xb6: {  	_ =	sfence  }
0xb7: {  	s30 =	sld [smem:$0x0];
	_ =	sdelay $0x2  }
0xb8: {  	s31 =	sshll.u32 s1, $0xD;
	s1 =	sshrl.u32 s1, $0x2  }
0xb9: {  	s3 =	sand.u32 $0x4000, s31;
	s1 =	sadd.s32 s1, s30  }
0xba: {  	s0 =	sor.u32 s3, s0;
	s1 =	sshll.u32 s1, $0x11  }
0xbb: {  	s0 =	sor.u32 s1, s0  }
0xbc: {  	s0 =	sadd.s32 $0x8F2B, s0  }
0xbd: {  	[sflag:s0] =	ssyncadd.remote.s32 $0x1  }
0xbe: {  	_ =	sfence.sel $0xFFFF  }
0xbf: {  	[dreg:$0x0] =	wrdreg $0xFFFFFFFF;
	(pc) =	sbr.abs _section_cstart, $3  }
0xc0: {  	[dreg:$0x1] =	wrdreg $0xFFFFFFFF  }
0xc1: {  	_ =	task.clear_ibuf [dreg:s7], $0x2FFFF;
	_ =	strace $0x9FFFFFFF  }
0xc2: {  	(tm) =	ssettm $0x7FFFFFFF  }
0xc3: {  	_ =	shalt  }
tec
execute0_lowered:
.L_overlay_start_1:
0x0: {  	(tag) =	ssettag $0x1  }
0x1: {  	s3 =	rddreg [dreg:$0x0]  }
0x2: {  	s14 =	rddreg [dreg:$0x1];
	s1 =	srdreg.scid  }
0x3: {  	s0 =	rddreg [dreg:$0x2];
	s15 =	sand.u32 $0x1, s1  }
0x4: {  	s2 =	simm.s32 $0x0;
	s1 =	stileid.u32;
	s4 =	sshll.u32 s15, $0x6  }
0x5: {  	[smem:$0x7FF] =	sst s2;
	s5 =	sshll.u32 s1, $0x7;
	s3 =	sadd.s32 s3, s4  }
0x6: {  	_ =	strace $0x80000047;
	s4 =	sadd.s32 s5, s3;
	s3 =	simm.s32 $0x2  }
0x7: {  	[tilespmem:s2], [sflag:$0x2] =	stream.linear.gather [hbm4b:s4+s2], $0x200, $0x38;
	[tilespmem:$0x10200] =	vst v63  }
0x8: {  	_ =	swait.ge [sflag:s3], $0x200  }
0x9: {  	s6 =	simm.s32 $0x80;
	[sflag:s3] =	ssyncset.done $0x0  }
0xa: {  	s7 =	simm.s32 $0x200;
	s5 =	sadd.s32 $0x1E00, s14;
	[sflag:s3] =	ssyncadd.s32 $0xFFFFFE00  }
0xb: {  	[tilespmem:s7], [sflag:$0x1] =	stream.indirect.gather [hbm4b:s5+s6], $0x80, s2, s6, $0xb8;
	[tilespmem:$0x10200] =	vst v63  }
0xc: {  	s8 =	simm.s32 $0x4200  }
0xd: {  	[tilespmem:s8], [sflag:$0x1] =	stream.indirect.gather [hbm4b:s5+s6], $0x80, s6, s6, $0xb8;
	[tilespmem:$0x10200] =	vst v63  }
0xe: {  	s9 =	simm.s32 $0x100;
	s10 =	simm.s32 $0x8200  }
0xf: {  	[tilespmem:s10], [sflag:$0x1] =	stream.indirect.gather [hbm4b:s5+s6], $0x80, s9, s6, $0xb8;
	[tilespmem:$0x10200] =	vst v63  }
0x10: {  	s11 =	simm.s32 $0x180;
	s12 =	simm.s32 $0xC200;
	s13 =	simm.s32 $0x1  }
0x11: {  	[tilespmem:s12], [sflag:$0x1] =	stream.indirect.gather [hbm4b:s5+s6], $0x80, s11, s6, $0xb8;
	[tilespmem:$0x10200] =	vst v63  }
0x12: {  	_ =	swait.ge [sflag:s13], $0x4000  }
0x13: {  	[sflag:s13] =	ssyncset.done $0x0  }
0x14: {  	[sflag:s13] =	ssyncadd.s32 $0xFFFFC000  }
0x15: {  	_ =	swait.ge [sflag:s13], $0x4000  }
0x16: {  	[sflag:s13] =	ssyncset.done $0x0  }
0x17: {  	s16 =	sshll.u32 s15, $0xD;
	s15 =	ssub.s32 $0x2, s15;
	[sflag:s13] =	ssyncadd.s32 $0xFFFFC000  }
0x18: {  	s31 =	sshrl.u32 s15, $0x1;
	_ =	swait.ge [sflag:s13], $0x4000  }
0x19: {  	s15 =	ssub.s32 s15, s31;
	[sflag:s13] =	ssyncset.done $0x0  }
0x1a: {  	s17 =	sshll.u32 s1, $0xE;
	s15 =	smax.u32 s15, $0x1;
	[sflag:s13] =	ssyncadd.s32 $0xFFFFC000  }
0x1b: {  	s14 =	sadd.s32 s16, s14;
	p0 =	sne.s32 s15, $0x1;
	_ =	swait.ge [sflag:s13], $0x4000  }
.Ltmp0:
0x1c: {  	s14 =	sadd.s32 s17, s14;
	[sflag:s13] =	ssyncset.done $0x0;
	(pc) =	sbr.rel @!p0 .LBB2_2-.Ltmp0, $4  }
0x1d: {  	s14 =	sadd.s32 $0x188800, s14;
	[sflag:s13] =	ssyncadd.s32 $0xFFFFC000  }
0x1e: {  	[hbm4b:s14+s2] =	stream.linear.scatter [tilespmem:s7], [sflag:$0x2], $0x10000, $0x38;
	[tilespmem:$0x10200] =	vst v63  }
0x1f: {  	_ =	swait.ge [sflag:s3], $0x10000  }
0x20: {  	s15 =	sadd.s32 $0xFFFFFFFF, s15;
	[sflag:s3] =	ssyncset.done $0x0  }
.LBB2_1:
0x21: {  	p0 =	sne.s32 s15, $0x1;
	s15 =	sadd.s32 $0xFFFFFFFF, s15;
	[sflag:s3] =	ssyncadd.s32 $0xFFFF0000  }
0x22: {  	[tilespmem:s2], [sflag:$0x2] =	stream.linear.gather [hbm4b:s4+s2], $0x200, $0x38;
	[tilespmem:$0x10200] =	vst v63  }
0x23: {  	_ =	swait.ge [sflag:s3], $0x200  }
0x24: {  	[sflag:s3] =	ssyncset.done $0x0  }
0x25: {  	[sflag:s3] =	ssyncadd.s32 $0xFFFFFE00  }
0x26: {  	[tilespmem:s7], [sflag:$0x1] =	stream.indirect.gather [hbm4b:s5+s6], $0x80, s2, s6, $0xb8;
	[tilespmem:$0x10200] =	vst v63  }
0x27: {  	_ = 	snop  }
0x28: {  	[tilespmem:s8], [sflag:$0x1] =	stream.indirect.gather [hbm4b:s5+s6], $0x80, s6, s6, $0xb8;
	[tilespmem:$0x10200] =	vst v63  }
0x29: {  	_ = 	snop  }
0x2a: {  	[tilespmem:s10], [sflag:$0x1] =	stream.indirect.gather [hbm4b:s5+s6], $0x80, s9, s6, $0xb8;
	[tilespmem:$0x10200] =	vst v63  }
0x2b: {  	_ = 	snop  }
0x2c: {  	[tilespmem:s12], [sflag:$0x1] =	stream.indirect.gather [hbm4b:s5+s6], $0x80, s11, s6, $0xb8;
	[tilespmem:$0x10200] =	vst v63  }
0x2d: {  	_ =	swait.ge [sflag:s13], $0x4000  }
0x2e: {  	[sflag:s13] =	ssyncset.done $0x0  }
0x2f: {  	[sflag:s13] =	ssyncadd.s32 $0xFFFFC000  }
0x30: {  	_ =	swait.ge [sflag:s13], $0x4000  }
0x31: {  	[sflag:s13] =	ssyncset.done $0x0  }
0x32: {  	[sflag:s13] =	ssyncadd.s32 $0xFFFFC000  }
0x33: {  	_ =	swait.ge [sflag:s13], $0x4000  }
0x34: {  	[sflag:s13] =	ssyncset.done $0x0  }
0x35: {  	[sflag:s13] =	ssyncadd.s32 $0xFFFFC000  }
0x36: {  	_ =	swait.ge [sflag:s13], $0x4000  }
.Ltmp1:
0x37: {  	[sflag:s13] =	ssyncset.done $0x0;
	(pc) =	sbr.rel @p0 .LBB2_1-.Ltmp1, $4  }
0x38: {  	[sflag:s13] =	ssyncadd.s32 $0xFFFFC000  }
0x39: {  	[hbm4b:s14+s2] =	stream.linear.scatter [tilespmem:s7], [sflag:$0x2], $0x10000, $0x38;
	[tilespmem:$0x10200] =	vst v63  }
0x3a: {  	_ =	swait.ge [sflag:s3], $0x10000  }
0x3b: {  	[sflag:s3] =	ssyncset.done $0x0  }
.LBB2_2:
0x3c: {  	[sflag:s3] =	ssyncadd.s32 $0xFFFF0000  }
0x3d: {  	_ =	sfence.sel $0x180000  }
0x3e: {  	[bflag:$0x0] =	sbarrier.arrive $0xFFFF  }
0x3f: {  	p0 =	sne.s32 s1, $0x0;
	_ =	strace $0x90000047  }
0x40: {  	s0 =	sadd.s32 @!p0 $0x100000, s0;
	[bflag:$0x2] =	sbarrier.arrive $0xFFFF  }
0x41: {  	[sflag:s0] =	ssyncadd.tile.s32 @!p0 $0x1;
	_ =	shalt  }
.Lfunc_end2:
_tile_overlayer_lowered:
.L_overlay_start_2:
0x42: {  	(tag) =	ssettag $0x2  }
0x43: {  	s0 =	rddreg [dreg:$0x0];
	s2 =	stileid.u32  }
0x44: {  	s1 =	rddreg [dreg:$0x1];
	p0 =	sne.s32 s2, $0x0  }
0x45: {  	s3 =	rddreg [dreg:$0x2];
	[bflag:$0x3] =	sbarrier.arrive $0xFFFF;
	s2 =	simm.s32 @!p0 $0x1C02  }
0x46: {  	[timem:s3], [sflag:s2] =	dma.local @!p0 [hbm:s0], s1  }
0x47: {  	s0 =	simm.s32 @!p0 $0x2  }
0x48: {  	_ =	swait.ge @!p0 [sflag:s0], s1  }
0x49: {  	s1 =	ssub.s32 @!p0 $0x0, s1;
	[sflag:s0] =	ssyncset.done @!p0 $0x0  }
0x4a: {  	[sflag:s0] =	ssyncadd.s32 @!p0 s1  }
0x4b: {  	[bflag:$0x3] =	sbarrier.arrive $0xFFFF  }
0x4c: {  	_ =	shalt  }

</sc_bundles>
